<compile_context>
chip_gen: v7x
topology: tpu7x:2x2x1
jax: 0.10.2.dev20260603
libtpu: 0.0.44.dev20260713+nightly
codegen_flags: <defaults>
</compile_context>

<pallas_src>
import functools

import jax
import jax.numpy as jnp
from jax import lax
from jax.experimental import pallas as pl
from jax.experimental.pallas import tpu as pltpu
from jax.experimental.pallas import tpu_sc as plsc

VOCAB = 100000
EMB = 128
MAX_LEN = 2048
BATCH = 4

_NC = 2
_NS = 16
_NW = _NC * _NS
_N = BATCH * MAX_LEN
_BPW = _N // _NW
_ICHUNK = 128
_NJ = _BPW // _ICHUNK
_SREP = 128

@functools.cache
def _make_emb_kernel():
    mesh = plsc.VectorSubcoreMesh(core_axis_name="c", subcore_axis_name="s")
    return pl.kernel(
        _emb_body,
        out_type=jax.ShapeDtypeStruct((_N, EMB), jnp.float32),
        mesh=mesh,
        scratch_types=[
            pltpu.VMEM((_NJ, _ICHUNK), jnp.int32),
            pltpu.VMEM((_NJ, _ICHUNK), jnp.int32),
            pltpu.VMEM((_BPW, EMB), jnp.float32),
            pltpu.SemaphoreType.DMA,
        ],
    )


def _emb_body(tok_hbm, idx_hbm, sid_hbm, seq_hbm, pos_hbm, out_hbm,
              idx_v, sid_v, acc_v, sem):
    wid = lax.axis_index("s") * _NC + lax.axis_index("c")
    base = wid * _BPW
    l0 = lax.rem(base, MAX_LEN)

    cps = [
        pltpu.async_copy(idx_hbm.at[pl.ds(wid * _NJ, _NJ)], idx_v, sem),
        pltpu.async_copy(sid_hbm.at[pl.ds(wid * _NJ, _NJ)], sid_v, sem),
        pltpu.async_copy(pos_hbm.at[pl.ds(l0, _BPW)], acc_v, sem),
    ]
    for cp in cps:
        cp.wait()

    iota = jnp.arange(16, dtype=jnp.int32)
    for j in range(_NJ):
        for c in range(_ICHUNK // 16):
            sl = (j, pl.ds(c * 16, 16))
            sid_v[sl] = sid_v[sl] + 2 * (iota + c * 16)

    cps = []
    for j in range(_NJ):
        dst = acc_v.at[pl.ds(j * _ICHUNK, _ICHUNK)]
        cps.append(pltpu.async_copy(tok_hbm.at[idx_v.at[j]], dst, sem, add=True))
        cps.append(pltpu.async_copy(seq_hbm.at[sid_v.at[j]], dst, sem, add=True))
    for cp in cps:
        cp.wait()

    pltpu.sync_copy(acc_v, out_hbm.at[pl.ds(base, _BPW)])


def kernel(inputs, sequence_id, token_table, seq_table, pos_table):
    idx = jnp.reshape(inputs.astype(jnp.int32), (_N // _ICHUNK, _ICHUNK))
    sid = jnp.reshape(sequence_id.astype(jnp.int32), (_N // _ICHUNK, _ICHUNK))
    seq_rep = jnp.tile(seq_table, (_SREP, 1))
    out = _make_emb_kernel()(token_table, idx, sid, seq_rep, pos_table)
    return jnp.reshape(out, (BATCH, MAX_LEN, EMB))

# --- scband reference (transcript-rebuilt; emitter-appended) ---
"""Pipeline reference for scband-bert-embeddings-82995948027986 (READ-ONLY COPY).

The authoritative reference and input builder live on the scoring server;
editing this copy changes nothing except your own understanding.
"""

import jax, jax.numpy as jnp
import numpy as np

VOCAB = 100000
EMB = 128
MAX_LEN = 2048
BATCH = 4

def setup_inputs(seed: int = 0) -> dict:
    key = jax.random.key(seed)
    k1, k2, k3, k4, k5 = jax.random.split(key, 5)
    inputs = jax.random.randint(k1, (BATCH, MAX_LEN), 0, VOCAB, dtype=jnp.int64 if jax.config.jax_enable_x64 else jnp.int32)
    sequence_id = jax.random.randint(k2, (BATCH, MAX_LEN), 0, 2, dtype=jnp.int64 if jax.config.jax_enable_x64 else jnp.int32)
    token_table = jax.random.normal(k3, (VOCAB, EMB), dtype=jnp.float32) * 0.02
    seq_table = jax.random.normal(k4, (2, EMB), dtype=jnp.float32) * 0.02
    pos_table = jax.random.normal(k5, (MAX_LEN, EMB), dtype=jnp.float32) * 0.02
    return {"inputs": inputs, "sequence_id": sequence_id, "token_table": token_table, "seq_table": seq_table, "pos_table": pos_table}

def reference(inputs, sequence_id, token_table, seq_table, pos_table):
    # token_emb: gather from vocab table -> [B, L, E]
    token_emb = jnp.take(token_table, inputs, axis=0)
    # seq_emb: gather from 2-row segment table -> [B, L, E]
    seq_emb = jnp.take(seq_table, sequence_id, axis=0)
    # pos_emb: full positional table gathered with arange -> [L, E], broadcasts over batch
    pos_emb = jnp.take(pos_table, jnp.arange(MAX_LEN), axis=0)
    return token_emb + seq_emb + pos_emb

if __name__ == "__main__":
    import jax
    _d = setup_inputs()
    print(jax.jit(kernel)(*tuple(_d.values())))

</pallas_src>

<mosaic_0001>
#map = affine_map<(d0, d1) -> (0, 0)>
module attributes {stable_mosaic.version = 14 : i64} {
  func.func @_emb_body(%arg0: i32, %arg1: i32, %arg2: memref<100000x128xf32, #tpu.memory_space<hbm>>, %arg3: memref<64x128xi32, #tpu.memory_space<hbm>>, %arg4: memref<64x128xi32, #tpu.memory_space<hbm>>, %arg5: memref<256x128xf32, #tpu.memory_space<hbm>>, %arg6: memref<2048x128xf32, #tpu.memory_space<hbm>>, %arg7: memref<8192x128xf32, #tpu.memory_space<hbm>>, %arg8: memref<2x128xi32, #tpu.memory_space<vmem>>, %arg9: memref<2x128xi32, #tpu.memory_space<vmem>>, %arg10: memref<256x128xf32, #tpu.memory_space<vmem>>, %arg11: memref<!tpu.dma_semaphore, #tpu.memory_space<semaphore_mem>>) attributes {dimension_semantics = [#tpu.dimension_semantics<core_parallel>, #tpu.dimension_semantics<subcore_parallel>], iteration_bounds = array<i64: 2, 16>, scalar_prefetch = 0 : i64, scratch_operands = 4 : i64, tpu.core_type = #tpu.core_type<sc_vector_subcore>, window_params = [{transform_indices = #map}, {transform_indices = #map}, {transform_indices = #map}, {transform_indices = #map}, {transform_indices = #map}, {transform_indices = #map}]} {
    %mul3A = arith.constant 2 : i32
    %mul3A_0 = arith.muli %arg1, %mul3A : i32
    %add3A = arith.addi %mul3A_0, %arg0 : i32
    %mul3A_1 = arith.constant 256 : i32
    %mul3A_2 = arith.muli %add3A, %mul3A_1 : i32
    %rem3A = arith.constant 2048 : i32
    %rem3A_3 = arith.remsi %mul3A_2, %rem3A : i32
    %mul3A_4 = arith.constant 2 : i32
    %mul3A_5 = arith.muli %add3A, %mul3A_4 : i32
    %dma_start3A = arith.constant 0 : i32
    %dma_start3A_6 = tpu.memref_slice %arg3[%mul3A_5, %dma_start3A] : memref<64x128xi32, #tpu.memory_space<hbm>> -> memref<2x128xi32, #tpu.memory_space<hbm>>
    %dma_start3A_7 = arith.constant 0 : i32
    %dma_start3A_8 = tpu.memref_slice %arg3[%mul3A_5, %dma_start3A_7] : memref<64x128xi32, #tpu.memory_space<hbm>> -> memref<2x128xi32, #tpu.memory_space<hbm>>
    tpu.enqueue_dma source(%dma_start3A_8 : memref<2x128xi32, #tpu.memory_space<hbm>>) target(%arg8 : memref<2x128xi32, #tpu.memory_space<vmem>>) target_semaphore(%arg11 : memref<!tpu.dma_semaphore, #tpu.memory_space<semaphore_mem>>)
    %mul3A_9 = arith.constant 2 : i32
    %mul3A_10 = arith.muli %add3A, %mul3A_9 : i32
    %dma_start3A_11 = arith.constant 0 : i32
    %dma_start3A_12 = tpu.memref_slice %arg4[%mul3A_10, %dma_start3A_11] : memref<64x128xi32, #tpu.memory_space<hbm>> -> memref<2x128xi32, #tpu.memory_space<hbm>>
    %dma_start3A_13 = arith.constant 0 : i32
    %dma_start3A_14 = tpu.memref_slice %arg4[%mul3A_10, %dma_start3A_13] : memref<64x128xi32, #tpu.memory_space<hbm>> -> memref<2x128xi32, #tpu.memory_space<hbm>>
    tpu.enqueue_dma source(%dma_start3A_14 : memref<2x128xi32, #tpu.memory_space<hbm>>) target(%arg9 : memref<2x128xi32, #tpu.memory_space<vmem>>) target_semaphore(%arg11 : memref<!tpu.dma_semaphore, #tpu.memory_space<semaphore_mem>>)
    %dma_start3A_15 = arith.constant 0 : i32
    %dma_start3A_16 = tpu.memref_slice %arg6[%rem3A_3, %dma_start3A_15] : memref<2048x128xf32, #tpu.memory_space<hbm>> -> memref<256x128xf32, #tpu.memory_space<hbm>>
    %dma_start3A_17 = arith.constant 0 : i32
    %dma_start3A_18 = tpu.memref_slice %arg6[%rem3A_3, %dma_start3A_17] : memref<2048x128xf32, #tpu.memory_space<hbm>> -> memref<256x128xf32, #tpu.memory_space<hbm>>
    tpu.enqueue_dma source(%dma_start3A_18 : memref<256x128xf32, #tpu.memory_space<hbm>>) target(%arg10 : memref<256x128xf32, #tpu.memory_space<vmem>>) target_semaphore(%arg11 : memref<!tpu.dma_semaphore, #tpu.memory_space<semaphore_mem>>)
    %dma_wait3A = arith.constant 0 : i32
    %dma_wait3A_19 = tpu.memref_slice %arg3[%mul3A_5, %dma_wait3A] : memref<64x128xi32, #tpu.memory_space<hbm>> -> memref<2x128xi32, #tpu.memory_space<hbm>>
    %dma_wait3A_20 = arith.constant 0 : i32
    %dma_wait3A_21 = tpu.memref_slice %arg3[%mul3A_5, %dma_wait3A_20] : memref<64x128xi32, #tpu.memory_space<hbm>> -> memref<2x128xi32, #tpu.memory_space<hbm>>
    tpu.wait_dma2 semaphore(%arg11 : memref<!tpu.dma_semaphore, #tpu.memory_space<semaphore_mem>>) src(%dma_wait3A_21 : memref<2x128xi32, #tpu.memory_space<hbm>>) dst(%arg8 : memref<2x128xi32, #tpu.memory_space<vmem>>)
    %dma_wait3A_22 = arith.constant 0 : i32
    %dma_wait3A_23 = tpu.memref_slice %arg4[%mul3A_10, %dma_wait3A_22] : memref<64x128xi32, #tpu.memory_space<hbm>> -> memref<2x128xi32, #tpu.memory_space<hbm>>
    %dma_wait3A_24 = arith.constant 0 : i32
    %dma_wait3A_25 = tpu.memref_slice %arg4[%mul3A_10, %dma_wait3A_24] : memref<64x128xi32, #tpu.memory_space<hbm>> -> memref<2x128xi32, #tpu.memory_space<hbm>>
    tpu.wait_dma2 semaphore(%arg11 : memref<!tpu.dma_semaphore, #tpu.memory_space<semaphore_mem>>) src(%dma_wait3A_25 : memref<2x128xi32, #tpu.memory_space<hbm>>) dst(%arg9 : memref<2x128xi32, #tpu.memory_space<vmem>>)
    %dma_wait3A_26 = arith.constant 0 : i32
    %dma_wait3A_27 = tpu.memref_slice %arg6[%rem3A_3, %dma_wait3A_26] : memref<2048x128xf32, #tpu.memory_space<hbm>> -> memref<256x128xf32, #tpu.memory_space<hbm>>
    %dma_wait3A_28 = arith.constant 0 : i32
    %dma_wait3A_29 = tpu.memref_slice %arg6[%rem3A_3, %dma_wait3A_28] : memref<2048x128xf32, #tpu.memory_space<hbm>> -> memref<256x128xf32, #tpu.memory_space<hbm>>
    tpu.wait_dma2 semaphore(%arg11 : memref<!tpu.dma_semaphore, #tpu.memory_space<semaphore_mem>>) src(%dma_wait3A_29 : memref<256x128xf32, #tpu.memory_space<hbm>>) dst(%arg10 : memref<256x128xf32, #tpu.memory_space<vmem>>)
    %iota3A = tpu.iota {dimensions = array<i32: 0>} : vector<16xi32>
    %get3A = arith.constant 0 : i32
    %get3A_30 = arith.index_cast %get3A : i32 to index
    %get3A_31 = arith.constant 0 : index
    %get3A_32 = tpu.vector_load %arg9[%get3A_30, %get3A_31] {strides = array<i32>} : memref<2x128xi32, #tpu.memory_space<vmem>>, vector<1x16xi32>,
    %get3A_33 = vector.shape_cast %get3A_32 : vector<1x16xi32> to vector<16xi32>
    %add3A_34 = arith.constant 0 : i32
    %add3A_35 = vector.broadcast %add3A_34 : i32 to vector<16xi32>
    %add3A_36 = arith.addi %iota3A, %add3A_35 : vector<16xi32>
    %mul3A_37 = arith.constant 2 : i32
    %mul3A_38 = vector.broadcast %mul3A_37 : i32 to vector<16xi32>
    %mul3A_39 = arith.muli %mul3A_38, %add3A_36 : vector<16xi32>
    %add3A_40 = arith.addi %get3A_33, %mul3A_39 : vector<16xi32>
    %swap3A = arith.constant 0 : i32
    %swap3A_41 = arith.index_cast %swap3A : i32 to index
    %swap3A_42 = arith.constant 0 : index
    %swap3A_43 = tpu.vector_load %arg9[%swap3A_41, %swap3A_42] {strides = array<i32>} : memref<2x128xi32, #tpu.memory_space<vmem>>, vector<1x16xi32>,
    %swap3A_44 = vector.shape_cast %swap3A_43 : vector<1x16xi32> to vector<16xi32>
    %swap3A_45 = vector.shape_cast %add3A_40 : vector<16xi32> to vector<1x16xi32>
    tpu.vector_store %arg9[%swap3A_41, %swap3A_42], %swap3A_45 {strides = array<i32>} : memref<2x128xi32, #tpu.memory_space<vmem>>, vector<1x16xi32>,
    %get3A_46 = arith.constant 0 : i32
    %get3A_47 = arith.index_cast %get3A_46 : i32 to index
    %get3A_48 = arith.constant 16 : index
    %get3A_49 = tpu.vector_load %arg9[%get3A_47, %get3A_48] {strides = array<i32>} : memref<2x128xi32, #tpu.memory_space<vmem>>, vector<1x16xi32>,
    %get3A_50 = vector.shape_cast %get3A_49 : vector<1x16xi32> to vector<16xi32>
    %add3A_51 = arith.constant 16 : i32
    %add3A_52 = vector.broadcast %add3A_51 : i32 to vector<16xi32>
    %add3A_53 = arith.addi %iota3A, %add3A_52 : vector<16xi32>
    %mul3A_54 = arith.constant 2 : i32
    %mul3A_55 = vector.broadcast %mul3A_54 : i32 to vector<16xi32>
    %mul3A_56 = arith.muli %mul3A_55, %add3A_53 : vector<16xi32>
    %add3A_57 = arith.addi %get3A_50, %mul3A_56 : vector<16xi32>
    %swap3A_58 = arith.constant 0 : i32
    %swap3A_59 = arith.index_cast %swap3A_58 : i32 to index
    %swap3A_60 = arith.constant 16 : index
    %swap3A_61 = tpu.vector_load %arg9[%swap3A_59, %swap3A_60] {strides = array<i32>} : memref<2x128xi32, #tpu.memory_space<vmem>>, vector<1x16xi32>,
    %swap3A_62 = vector.shape_cast %swap3A_61 : vector<1x16xi32> to vector<16xi32>
    %swap3A_63 = vector.shape_cast %add3A_57 : vector<16xi32> to vector<1x16xi32>
    tpu.vector_store %arg9[%swap3A_59, %swap3A_60], %swap3A_63 {strides = array<i32>} : memref<2x128xi32, #tpu.memory_space<vmem>>, vector<1x16xi32>,
    %get3A_64 = arith.constant 0 : i32
    %get3A_65 = arith.index_cast %get3A_64 : i32 to index
    %get3A_66 = arith.constant 32 : index
    %get3A_67 = tpu.vector_load %arg9[%get3A_65, %get3A_66] {strides = array<i32>} : memref<2x128xi32, #tpu.memory_space<vmem>>, vector<1x16xi32>,
    %get3A_68 = vector.shape_cast %get3A_67 : vector<1x16xi32> to vector<16xi32>
    %add3A_69 = arith.constant 32 : i32
    %add3A_70 = vector.broadcast %add3A_69 : i32 to vector<16xi32>
    %add3A_71 = arith.addi %iota3A, %add3A_70 : vector<16xi32>
    %mul3A_72 = arith.constant 2 : i32
    %mul3A_73 = vector.broadcast %mul3A_72 : i32 to vector<16xi32>
    %mul3A_74 = arith.muli %mul3A_73, %add3A_71 : vector<16xi32>
    %add3A_75 = arith.addi %get3A_68, %mul3A_74 : vector<16xi32>
    %swap3A_76 = arith.constant 0 : i32
    %swap3A_77 = arith.index_cast %swap3A_76 : i32 to index
    %swap3A_78 = arith.constant 32 : index
    %swap3A_79 = tpu.vector_load %arg9[%swap3A_77, %swap3A_78] {strides = array<i32>} : memref<2x128xi32, #tpu.memory_space<vmem>>, vector<1x16xi32>,
    %swap3A_80 = vector.shape_cast %swap3A_79 : vector<1x16xi32> to vector<16xi32>
    %swap3A_81 = vector.shape_cast %add3A_75 : vector<16xi32> to vector<1x16xi32>
    tpu.vector_store %arg9[%swap3A_77, %swap3A_78], %swap3A_81 {strides = array<i32>} : memref<2x128xi32, #tpu.memory_space<vmem>>, vector<1x16xi32>,
    %get3A_82 = arith.constant 0 : i32
    %get3A_83 = arith.index_cast %get3A_82 : i32 to index
    %get3A_84 = arith.constant 48 : index
    %get3A_85 = tpu.vector_load %arg9[%get3A_83, %get3A_84] {strides = array<i32>} : memref<2x128xi32, #tpu.memory_space<vmem>>, vector<1x16xi32>,
    %get3A_86 = vector.shape_cast %get3A_85 : vector<1x16xi32> to vector<16xi32>
    %add3A_87 = arith.constant 48 : i32
    %add3A_88 = vector.broadcast %add3A_87 : i32 to vector<16xi32>
    %add3A_89 = arith.addi %iota3A, %add3A_88 : vector<16xi32>
    %mul3A_90 = arith.constant 2 : i32
    %mul3A_91 = vector.broadcast %mul3A_90 : i32 to vector<16xi32>
    %mul3A_92 = arith.muli %mul3A_91, %add3A_89 : vector<16xi32>
    %add3A_93 = arith.addi %get3A_86, %mul3A_92 : vector<16xi32>
    %swap3A_94 = arith.constant 0 : i32
    %swap3A_95 = arith.index_cast %swap3A_94 : i32 to index
    %swap3A_96 = arith.constant 48 : index
    %swap3A_97 = tpu.vector_load %arg9[%swap3A_95, %swap3A_96] {strides = array<i32>} : memref<2x128xi32, #tpu.memory_space<vmem>>, vector<1x16xi32>,
    %swap3A_98 = vector.shape_cast %swap3A_97 : vector<1x16xi32> to vector<16xi32>
    %swap3A_99 = vector.shape_cast %add3A_93 : vector<16xi32> to vector<1x16xi32>
    tpu.vector_store %arg9[%swap3A_95, %swap3A_96], %swap3A_99 {strides = array<i32>} : memref<2x128xi32, #tpu.memory_space<vmem>>, vector<1x16xi32>,
    %get3A_100 = arith.constant 0 : i32
    %get3A_101 = arith.index_cast %get3A_100 : i32 to index
    %get3A_102 = arith.constant 64 : index
    %get3A_103 = tpu.vector_load %arg9[%get3A_101, %get3A_102] {strides = array<i32>} : memref<2x128xi32, #tpu.memory_space<vmem>>, vector<1x16xi32>,
    %get3A_104 = vector.shape_cast %get3A_103 : vector<1x16xi32> to vector<16xi32>
    %add3A_105 = arith.constant 64 : i32
    %add3A_106 = vector.broadcast %add3A_105 : i32 to vector<16xi32>
    %add3A_107 = arith.addi %iota3A, %add3A_106 : vector<16xi32>
    %mul3A_108 = arith.constant 2 : i32
    %mul3A_109 = vector.broadcast %mul3A_108 : i32 to vector<16xi32>
    %mul3A_110 = arith.muli %mul3A_109, %add3A_107 : vector<16xi32>
    %add3A_111 = arith.addi %get3A_104, %mul3A_110 : vector<16xi32>
    %swap3A_112 = arith.constant 0 : i32
    %swap3A_113 = arith.index_cast %swap3A_112 : i32 to index
    %swap3A_114 = arith.constant 64 : index
    %swap3A_115 = tpu.vector_load %arg9[%swap3A_113, %swap3A_114] {strides = array<i32>} : memref<2x128xi32, #tpu.memory_space<vmem>>, vector<1x16xi32>,
    %swap3A_116 = vector.shape_cast %swap3A_115 : vector<1x16xi32> to vector<16xi32>
    %swap3A_117 = vector.shape_cast %add3A_111 : vector<16xi32> to vector<1x16xi32>
    tpu.vector_store %arg9[%swap3A_113, %swap3A_114], %swap3A_117 {strides = array<i32>} : memref<2x128xi32, #tpu.memory_space<vmem>>, vector<1x16xi32>,
    %get3A_118 = arith.constant 0 : i32
    %get3A_119 = arith.index_cast %get3A_118 : i32 to index
    %get3A_120 = arith.constant 80 : index
    %get3A_121 = tpu.vector_load %arg9[%get3A_119, %get3A_120] {strides = array<i32>} : memref<2x128xi32, #tpu.memory_space<vmem>>, vector<1x16xi32>,
    %get3A_122 = vector.shape_cast %get3A_121 : vector<1x16xi32> to vector<16xi32>
    %add3A_123 = arith.constant 80 : i32
    %add3A_124 = vector.broadcast %add3A_123 : i32 to vector<16xi32>
    %add3A_125 = arith.addi %iota3A, %add3A_124 : vector<16xi32>
    %mul3A_126 = arith.constant 2 : i32
    %mul3A_127 = vector.broadcast %mul3A_126 : i32 to vector<16xi32>
    %mul3A_128 = arith.muli %mul3A_127, %add3A_125 : vector<16xi32>
    %add3A_129 = arith.addi %get3A_122, %mul3A_128 : vector<16xi32>
    %swap3A_130 = arith.constant 0 : i32
    %swap3A_131 = arith.index_cast %swap3A_130 : i32 to index
    %swap3A_132 = arith.constant 80 : index
    %swap3A_133 = tpu.vector_load %arg9[%swap3A_131, %swap3A_132] {strides = array<i32>} : memref<2x128xi32, #tpu.memory_space<vmem>>, vector<1x16xi32>,
    %swap3A_134 = vector.shape_cast %swap3A_133 : vector<1x16xi32> to vector<16xi32>
    %swap3A_135 = vector.shape_cast %add3A_129 : vector<16xi32> to vector<1x16xi32>
    tpu.vector_store %arg9[%swap3A_131, %swap3A_132], %swap3A_135 {strides = array<i32>} : memref<2x128xi32, #tpu.memory_space<vmem>>, vector<1x16xi32>,
    %get3A_136 = arith.constant 0 : i32
    %get3A_137 = arith.index_cast %get3A_136 : i32 to index
    %get3A_138 = arith.constant 96 : index
    %get3A_139 = tpu.vector_load %arg9[%get3A_137, %get3A_138] {strides = array<i32>} : memref<2x128xi32, #tpu.memory_space<vmem>>, vector<1x16xi32>,
    %get3A_140 = vector.shape_cast %get3A_139 : vector<1x16xi32> to vector<16xi32>
    %add3A_141 = arith.constant 96 : i32
    %add3A_142 = vector.broadcast %add3A_141 : i32 to vector<16xi32>
    %add3A_143 = arith.addi %iota3A, %add3A_142 : vector<16xi32>
    %mul3A_144 = arith.constant 2 : i32
    %mul3A_145 = vector.broadcast %mul3A_144 : i32 to vector<16xi32>
    %mul3A_146 = arith.muli %mul3A_145, %add3A_143 : vector<16xi32>
    %add3A_147 = arith.addi %get3A_140, %mul3A_146 : vector<16xi32>
    %swap3A_148 = arith.constant 0 : i32
    %swap3A_149 = arith.index_cast %swap3A_148 : i32 to index
    %swap3A_150 = arith.constant 96 : index
    %swap3A_151 = tpu.vector_load %arg9[%swap3A_149, %swap3A_150] {strides = array<i32>} : memref<2x128xi32, #tpu.memory_space<vmem>>, vector<1x16xi32>,
    %swap3A_152 = vector.shape_cast %swap3A_151 : vector<1x16xi32> to vector<16xi32>
    %swap3A_153 = vector.shape_cast %add3A_147 : vector<16xi32> to vector<1x16xi32>
    tpu.vector_store %arg9[%swap3A_149, %swap3A_150], %swap3A_153 {strides = array<i32>} : memref<2x128xi32, #tpu.memory_space<vmem>>, vector<1x16xi32>,
    %get3A_154 = arith.constant 0 : i32
    %get3A_155 = arith.index_cast %get3A_154 : i32 to index
    %get3A_156 = arith.constant 112 : index
    %get3A_157 = tpu.vector_load %arg9[%get3A_155, %get3A_156] {strides = array<i32>} : memref<2x128xi32, #tpu.memory_space<vmem>>, vector<1x16xi32>,
    %get3A_158 = vector.shape_cast %get3A_157 : vector<1x16xi32> to vector<16xi32>
    %add3A_159 = arith.constant 112 : i32
    %add3A_160 = vector.broadcast %add3A_159 : i32 to vector<16xi32>
    %add3A_161 = arith.addi %iota3A, %add3A_160 : vector<16xi32>
    %mul3A_162 = arith.constant 2 : i32
    %mul3A_163 = vector.broadcast %mul3A_162 : i32 to vector<16xi32>
    %mul3A_164 = arith.muli %mul3A_163, %add3A_161 : vector<16xi32>
    %add3A_165 = arith.addi %get3A_158, %mul3A_164 : vector<16xi32>
    %swap3A_166 = arith.constant 0 : i32
    %swap3A_167 = arith.index_cast %swap3A_166 : i32 to index
    %swap3A_168 = arith.constant 112 : index
    %swap3A_169 = tpu.vector_load %arg9[%swap3A_167, %swap3A_168] {strides = array<i32>} : memref<2x128xi32, #tpu.memory_space<vmem>>, vector<1x16xi32>,
    %swap3A_170 = vector.shape_cast %swap3A_169 : vector<1x16xi32> to vector<16xi32>
    %swap3A_171 = vector.shape_cast %add3A_165 : vector<16xi32> to vector<1x16xi32>
    tpu.vector_store %arg9[%swap3A_167, %swap3A_168], %swap3A_171 {strides = array<i32>} : memref<2x128xi32, #tpu.memory_space<vmem>>, vector<1x16xi32>,
    %get3A_172 = arith.constant 1 : i32
    %get3A_173 = arith.index_cast %get3A_172 : i32 to index
    %get3A_174 = arith.constant 0 : index
    %get3A_175 = tpu.vector_load %arg9[%get3A_173, %get3A_174] {strides = array<i32>} : memref<2x128xi32, #tpu.memory_space<vmem>>, vector<1x16xi32>,
    %get3A_176 = vector.shape_cast %get3A_175 : vector<1x16xi32> to vector<16xi32>
    %add3A_177 = arith.constant 0 : i32
    %add3A_178 = vector.broadcast %add3A_177 : i32 to vector<16xi32>
    %add3A_179 = arith.addi %iota3A, %add3A_178 : vector<16xi32>
    %mul3A_180 = arith.constant 2 : i32
    %mul3A_181 = vector.broadcast %mul3A_180 : i32 to vector<16xi32>
    %mul3A_182 = arith.muli %mul3A_181, %add3A_179 : vector<16xi32>
    %add3A_183 = arith.addi %get3A_176, %mul3A_182 : vector<16xi32>
    %swap3A_184 = arith.constant 1 : i32
    %swap3A_185 = arith.index_cast %swap3A_184 : i32 to index
    %swap3A_186 = arith.constant 0 : index
    %swap3A_187 = tpu.vector_load %arg9[%swap3A_185, %swap3A_186] {strides = array<i32>} : memref<2x128xi32, #tpu.memory_space<vmem>>, vector<1x16xi32>,
    %swap3A_188 = vector.shape_cast %swap3A_187 : vector<1x16xi32> to vector<16xi32>
    %swap3A_189 = vector.shape_cast %add3A_183 : vector<16xi32> to vector<1x16xi32>
    tpu.vector_store %arg9[%swap3A_185, %swap3A_186], %swap3A_189 {strides = array<i32>} : memref<2x128xi32, #tpu.memory_space<vmem>>, vector<1x16xi32>,
    %get3A_190 = arith.constant 1 : i32
    %get3A_191 = arith.index_cast %get3A_190 : i32 to index
    %get3A_192 = arith.constant 16 : index
    %get3A_193 = tpu.vector_load %arg9[%get3A_191, %get3A_192] {strides = array<i32>} : memref<2x128xi32, #tpu.memory_space<vmem>>, vector<1x16xi32>,
    %get3A_194 = vector.shape_cast %get3A_193 : vector<1x16xi32> to vector<16xi32>
    %add3A_195 = arith.constant 16 : i32
    %add3A_196 = vector.broadcast %add3A_195 : i32 to vector<16xi32>
    %add3A_197 = arith.addi %iota3A, %add3A_196 : vector<16xi32>
    %mul3A_198 = arith.constant 2 : i32
    %mul3A_199 = vector.broadcast %mul3A_198 : i32 to vector<16xi32>
    %mul3A_200 = arith.muli %mul3A_199, %add3A_197 : vector<16xi32>
    %add3A_201 = arith.addi %get3A_194, %mul3A_200 : vector<16xi32>
    %swap3A_202 = arith.constant 1 : i32
    %swap3A_203 = arith.index_cast %swap3A_202 : i32 to index
    %swap3A_204 = arith.constant 16 : index
    %swap3A_205 = tpu.vector_load %arg9[%swap3A_203, %swap3A_204] {strides = array<i32>} : memref<2x128xi32, #tpu.memory_space<vmem>>, vector<1x16xi32>,
    %swap3A_206 = vector.shape_cast %swap3A_205 : vector<1x16xi32> to vector<16xi32>
    %swap3A_207 = vector.shape_cast %add3A_201 : vector<16xi32> to vector<1x16xi32>
    tpu.vector_store %arg9[%swap3A_203, %swap3A_204], %swap3A_207 {strides = array<i32>} : memref<2x128xi32, #tpu.memory_space<vmem>>, vector<1x16xi32>,
    %get3A_208 = arith.constant 1 : i32
    %get3A_209 = arith.index_cast %get3A_208 : i32 to index
    %get3A_210 = arith.constant 32 : index
    %get3A_211 = tpu.vector_load %arg9[%get3A_209, %get3A_210] {strides = array<i32>} : memref<2x128xi32, #tpu.memory_space<vmem>>, vector<1x16xi32>,
    %get3A_212 = vector.shape_cast %get3A_211 : vector<1x16xi32> to vector<16xi32>
    %add3A_213 = arith.constant 32 : i32
    %add3A_214 = vector.broadcast %add3A_213 : i32 to vector<16xi32>
    %add3A_215 = arith.addi %iota3A, %add3A_214 : vector<16xi32>
    %mul3A_216 = arith.constant 2 : i32
    %mul3A_217 = vector.broadcast %mul3A_216 : i32 to vector<16xi32>
    %mul3A_218 = arith.muli %mul3A_217, %add3A_215 : vector<16xi32>
    %add3A_219 = arith.addi %get3A_212, %mul3A_218 : vector<16xi32>
    %swap3A_220 = arith.constant 1 : i32
    %swap3A_221 = arith.index_cast %swap3A_220 : i32 to index
    %swap3A_222 = arith.constant 32 : index
    %swap3A_223 = tpu.vector_load %arg9[%swap3A_221, %swap3A_222] {strides = array<i32>} : memref<2x128xi32, #tpu.memory_space<vmem>>, vector<1x16xi32>,
    %swap3A_224 = vector.shape_cast %swap3A_223 : vector<1x16xi32> to vector<16xi32>
    %swap3A_225 = vector.shape_cast %add3A_219 : vector<16xi32> to vector<1x16xi32>
    tpu.vector_store %arg9[%swap3A_221, %swap3A_222], %swap3A_225 {strides = array<i32>} : memref<2x128xi32, #tpu.memory_space<vmem>>, vector<1x16xi32>,
    %get3A_226 = arith.constant 1 : i32
    %get3A_227 = arith.index_cast %get3A_226 : i32 to index
    %get3A_228 = arith.constant 48 : index
    %get3A_229 = tpu.vector_load %arg9[%get3A_227, %get3A_228] {strides = array<i32>} : memref<2x128xi32, #tpu.memory_space<vmem>>, vector<1x16xi32>,
    %get3A_230 = vector.shape_cast %get3A_229 : vector<1x16xi32> to vector<16xi32>
    %add3A_231 = arith.constant 48 : i32
    %add3A_232 = vector.broadcast %add3A_231 : i32 to vector<16xi32>
    %add3A_233 = arith.addi %iota3A, %add3A_232 : vector<16xi32>
    %mul3A_234 = arith.constant 2 : i32
    %mul3A_235 = vector.broadcast %mul3A_234 : i32 to vector<16xi32>
    %mul3A_236 = arith.muli %mul3A_235, %add3A_233 : vector<16xi32>
    %add3A_237 = arith.addi %get3A_230, %mul3A_236 : vector<16xi32>
    %swap3A_238 = arith.constant 1 : i32
    %swap3A_239 = arith.index_cast %swap3A_238 : i32 to index
    %swap3A_240 = arith.constant 48 : index
    %swap3A_241 = tpu.vector_load %arg9[%swap3A_239, %swap3A_240] {strides = array<i32>} : memref<2x128xi32, #tpu.memory_space<vmem>>, vector<1x16xi32>,
    %swap3A_242 = vector.shape_cast %swap3A_241 : vector<1x16xi32> to vector<16xi32>
    %swap3A_243 = vector.shape_cast %add3A_237 : vector<16xi32> to vector<1x16xi32>
    tpu.vector_store %arg9[%swap3A_239, %swap3A_240], %swap3A_243 {strides = array<i32>} : memref<2x128xi32, #tpu.memory_space<vmem>>, vector<1x16xi32>,
    %get3A_244 = arith.constant 1 : i32
    %get3A_245 = arith.index_cast %get3A_244 : i32 to index
    %get3A_246 = arith.constant 64 : index
    %get3A_247 = tpu.vector_load %arg9[%get3A_245, %get3A_246] {strides = array<i32>} : memref<2x128xi32, #tpu.memory_space<vmem>>, vector<1x16xi32>,
    %get3A_248 = vector.shape_cast %get3A_247 : vector<1x16xi32> to vector<16xi32>
    %add3A_249 = arith.constant 64 : i32
    %add3A_250 = vector.broadcast %add3A_249 : i32 to vector<16xi32>
    %add3A_251 = arith.addi %iota3A, %add3A_250 : vector<16xi32>
    %mul3A_252 = arith.constant 2 : i32
    %mul3A_253 = vector.broadcast %mul3A_252 : i32 to vector<16xi32>
    %mul3A_254 = arith.muli %mul3A_253, %add3A_251 : vector<16xi32>
    %add3A_255 = arith.addi %get3A_248, %mul3A_254 : vector<16xi32>
    %swap3A_256 = arith.constant 1 : i32
    %swap3A_257 = arith.index_cast %swap3A_256 : i32 to index
    %swap3A_258 = arith.constant 64 : index
    %swap3A_259 = tpu.vector_load %arg9[%swap3A_257, %swap3A_258] {strides = array<i32>} : memref<2x128xi32, #tpu.memory_space<vmem>>, vector<1x16xi32>,
    %swap3A_260 = vector.shape_cast %swap3A_259 : vector<1x16xi32> to vector<16xi32>
    %swap3A_261 = vector.shape_cast %add3A_255 : vector<16xi32> to vector<1x16xi32>
    tpu.vector_store %arg9[%swap3A_257, %swap3A_258], %swap3A_261 {strides = array<i32>} : memref<2x128xi32, #tpu.memory_space<vmem>>, vector<1x16xi32>,
    %get3A_262 = arith.constant 1 : i32
    %get3A_263 = arith.index_cast %get3A_262 : i32 to index
    %get3A_264 = arith.constant 80 : index
    %get3A_265 = tpu.vector_load %arg9[%get3A_263, %get3A_264] {strides = array<i32>} : memref<2x128xi32, #tpu.memory_space<vmem>>, vector<1x16xi32>,
    %get3A_266 = vector.shape_cast %get3A_265 : vector<1x16xi32> to vector<16xi32>
    %add3A_267 = arith.constant 80 : i32
    %add3A_268 = vector.broadcast %add3A_267 : i32 to vector<16xi32>
    %add3A_269 = arith.addi %iota3A, %add3A_268 : vector<16xi32>
    %mul3A_270 = arith.constant 2 : i32
    %mul3A_271 = vector.broadcast %mul3A_270 : i32 to vector<16xi32>
    %mul3A_272 = arith.muli %mul3A_271, %add3A_269 : vector<16xi32>
    %add3A_273 = arith.addi %get3A_266, %mul3A_272 : vector<16xi32>
    %swap3A_274 = arith.constant 1 : i32
    %swap3A_275 = arith.index_cast %swap3A_274 : i32 to index
    %swap3A_276 = arith.constant 80 : index
    %swap3A_277 = tpu.vector_load %arg9[%swap3A_275, %swap3A_276] {strides = array<i32>} : memref<2x128xi32, #tpu.memory_space<vmem>>, vector<1x16xi32>,
    %swap3A_278 = vector.shape_cast %swap3A_277 : vector<1x16xi32> to vector<16xi32>
    %swap3A_279 = vector.shape_cast %add3A_273 : vector<16xi32> to vector<1x16xi32>
    tpu.vector_store %arg9[%swap3A_275, %swap3A_276], %swap3A_279 {strides = array<i32>} : memref<2x128xi32, #tpu.memory_space<vmem>>, vector<1x16xi32>,
    %get3A_280 = arith.constant 1 : i32
    %get3A_281 = arith.index_cast %get3A_280 : i32 to index
    %get3A_282 = arith.constant 96 : index
    %get3A_283 = tpu.vector_load %arg9[%get3A_281, %get3A_282] {strides = array<i32>} : memref<2x128xi32, #tpu.memory_space<vmem>>, vector<1x16xi32>,
    %get3A_284 = vector.shape_cast %get3A_283 : vector<1x16xi32> to vector<16xi32>
    %add3A_285 = arith.constant 96 : i32
    %add3A_286 = vector.broadcast %add3A_285 : i32 to vector<16xi32>
    %add3A_287 = arith.addi %iota3A, %add3A_286 : vector<16xi32>
    %mul3A_288 = arith.constant 2 : i32
    %mul3A_289 = vector.broadcast %mul3A_288 : i32 to vector<16xi32>
    %mul3A_290 = arith.muli %mul3A_289, %add3A_287 : vector<16xi32>
    %add3A_291 = arith.addi %get3A_284, %mul3A_290 : vector<16xi32>
    %swap3A_292 = arith.constant 1 : i32
    %swap3A_293 = arith.index_cast %swap3A_292 : i32 to index
    %swap3A_294 = arith.constant 96 : index
    %swap3A_295 = tpu.vector_load %arg9[%swap3A_293, %swap3A_294] {strides = array<i32>} : memref<2x128xi32, #tpu.memory_space<vmem>>, vector<1x16xi32>,
    %swap3A_296 = vector.shape_cast %swap3A_295 : vector<1x16xi32> to vector<16xi32>
    %swap3A_297 = vector.shape_cast %add3A_291 : vector<16xi32> to vector<1x16xi32>
    tpu.vector_store %arg9[%swap3A_293, %swap3A_294], %swap3A_297 {strides = array<i32>} : memref<2x128xi32, #tpu.memory_space<vmem>>, vector<1x16xi32>,
    %get3A_298 = arith.constant 1 : i32
    %get3A_299 = arith.index_cast %get3A_298 : i32 to index
    %get3A_300 = arith.constant 112 : index
    %get3A_301 = tpu.vector_load %arg9[%get3A_299, %get3A_300] {strides = array<i32>} : memref<2x128xi32, #tpu.memory_space<vmem>>, vector<1x16xi32>,
    %get3A_302 = vector.shape_cast %get3A_301 : vector<1x16xi32> to vector<16xi32>
    %add3A_303 = arith.constant 112 : i32
    %add3A_304 = vector.broadcast %add3A_303 : i32 to vector<16xi32>
    %add3A_305 = arith.addi %iota3A, %add3A_304 : vector<16xi32>
    %mul3A_306 = arith.constant 2 : i32
    %mul3A_307 = vector.broadcast %mul3A_306 : i32 to vector<16xi32>
    %mul3A_308 = arith.muli %mul3A_307, %add3A_305 : vector<16xi32>
    %add3A_309 = arith.addi %get3A_302, %mul3A_308 : vector<16xi32>
    %swap3A_310 = arith.constant 1 : i32
    %swap3A_311 = arith.index_cast %swap3A_310 : i32 to index
    %swap3A_312 = arith.constant 112 : index
    %swap3A_313 = tpu.vector_load %arg9[%swap3A_311, %swap3A_312] {strides = array<i32>} : memref<2x128xi32, #tpu.memory_space<vmem>>, vector<1x16xi32>,
    %swap3A_314 = vector.shape_cast %swap3A_313 : vector<1x16xi32> to vector<16xi32>
    %swap3A_315 = vector.shape_cast %add3A_309 : vector<16xi32> to vector<1x16xi32>
    tpu.vector_store %arg9[%swap3A_311, %swap3A_312], %swap3A_315 {strides = array<i32>} : memref<2x128xi32, #tpu.memory_space<vmem>>, vector<1x16xi32>,
    %dma_start3A_316 = arith.constant 0 : i32
    %dma_start3A_317 = arith.constant 0 : i32
    %dma_start3A_318 = arith.constant 0 : i32
    %dma_start3A_319 = tpu.memref_slice %arg10[%dma_start3A_317, %dma_start3A_318] : memref<256x128xf32, #tpu.memory_space<vmem>> -> memref<128x128xf32, #tpu.memory_space<vmem>>
    %dma_start3A_320 = arith.constant 0 : i32
    %dma_start3A_321 = tpu.memref_slice %arg8[%dma_start3A_316, %dma_start3A_320] : memref<2x128xi32, #tpu.memory_space<vmem>> -> memref<1x128xi32, #tpu.memory_space<vmem>>
    %dma_start3A_322 = tpu.memref_squeeze %dma_start3A_321 : memref<1x128xi32, #tpu.memory_space<vmem>> -> memref<128xi32, #tpu.memory_space<vmem>>
    %dma_start3A_323 = arith.constant 0 : i32
    %dma_start3A_324 = arith.constant 0 : i32
    %dma_start3A_325 = tpu.memref_slice %arg2[%dma_start3A_323, %dma_start3A_324] : memref<100000x128xf32, #tpu.memory_space<hbm>> -> memref<100000x128xf32, #tpu.memory_space<hbm>>
    tpu.enqueue_indirect_dma source(%dma_start3A_325 : memref<100000x128xf32, #tpu.memory_space<hbm>>) target(%dma_start3A_319 : memref<128x128xf32, #tpu.memory_space<vmem>>) offsets(%dma_start3A_322 : memref<128xi32, #tpu.memory_space<vmem>>) semaphore(%arg11 : memref<!tpu.dma_semaphore, #tpu.memory_space<semaphore_mem>>) {add = true}
    %dma_start3A_326 = arith.constant 0 : i32
    %dma_start3A_327 = arith.constant 0 : i32
    %dma_start3A_328 = arith.constant 0 : i32
    %dma_start3A_329 = tpu.memref_slice %arg10[%dma_start3A_327, %dma_start3A_328] : memref<256x128xf32, #tpu.memory_space<vmem>> -> memref<128x128xf32, #tpu.memory_space<vmem>>
    %dma_start3A_330 = arith.constant 0 : i32
    %dma_start3A_331 = tpu.memref_slice %arg9[%dma_start3A_326, %dma_start3A_330] : memref<2x128xi32, #tpu.memory_space<vmem>> -> memref<1x128xi32, #tpu.memory_space<vmem>>
    %dma_start3A_332 = tpu.memref_squeeze %dma_start3A_331 : memref<1x128xi32, #tpu.memory_space<vmem>> -> memref<128xi32, #tpu.memory_space<vmem>>
    %dma_start3A_333 = arith.constant 0 : i32
    %dma_start3A_334 = arith.constant 0 : i32
    %dma_start3A_335 = tpu.memref_slice %arg5[%dma_start3A_333, %dma_start3A_334] : memref<256x128xf32, #tpu.memory_space<hbm>> -> memref<256x128xf32, #tpu.memory_space<hbm>>
    tpu.enqueue_indirect_dma source(%dma_start3A_335 : memref<256x128xf32, #tpu.memory_space<hbm>>) target(%dma_start3A_329 : memref<128x128xf32, #tpu.memory_space<vmem>>) offsets(%dma_start3A_332 : memref<128xi32, #tpu.memory_space<vmem>>) semaphore(%arg11 : memref<!tpu.dma_semaphore, #tpu.memory_space<semaphore_mem>>) {add = true}
    %dma_start3A_336 = arith.constant 1 : i32
    %dma_start3A_337 = arith.constant 128 : i32
    %dma_start3A_338 = arith.constant 0 : i32
    %dma_start3A_339 = tpu.memref_slice %arg10[%dma_start3A_337, %dma_start3A_338] : memref<256x128xf32, #tpu.memory_space<vmem>> -> memref<128x128xf32, #tpu.memory_space<vmem>>
    %dma_start3A_340 = arith.constant 0 : i32
    %dma_start3A_341 = tpu.memref_slice %arg8[%dma_start3A_336, %dma_start3A_340] : memref<2x128xi32, #tpu.memory_space<vmem>> -> memref<1x128xi32, #tpu.memory_space<vmem>>
    %dma_start3A_342 = tpu.memref_squeeze %dma_start3A_341 : memref<1x128xi32, #tpu.memory_space<vmem>> -> memref<128xi32, #tpu.memory_space<vmem>>
    %dma_start3A_343 = arith.constant 0 : i32
    %dma_start3A_344 = arith.constant 0 : i32
    %dma_start3A_345 = tpu.memref_slice %arg2[%dma_start3A_343, %dma_start3A_344] : memref<100000x128xf32, #tpu.memory_space<hbm>> -> memref<100000x128xf32, #tpu.memory_space<hbm>>
    tpu.enqueue_indirect_dma source(%dma_start3A_345 : memref<100000x128xf32, #tpu.memory_space<hbm>>) target(%dma_start3A_339 : memref<128x128xf32, #tpu.memory_space<vmem>>) offsets(%dma_start3A_342 : memref<128xi32, #tpu.memory_space<vmem>>) semaphore(%arg11 : memref<!tpu.dma_semaphore, #tpu.memory_space<semaphore_mem>>) {add = true}
    %dma_start3A_346 = arith.constant 1 : i32
    %dma_start3A_347 = arith.constant 128 : i32
    %dma_start3A_348 = arith.constant 0 : i32
    %dma_start3A_349 = tpu.memref_slice %arg10[%dma_start3A_347, %dma_start3A_348] : memref<256x128xf32, #tpu.memory_space<vmem>> -> memref<128x128xf32, #tpu.memory_space<vmem>>
    %dma_start3A_350 = arith.constant 0 : i32
    %dma_start3A_351 = tpu.memref_slice %arg9[%dma_start3A_346, %dma_start3A_350] : memref<2x128xi32, #tpu.memory_space<vmem>> -> memref<1x128xi32, #tpu.memory_space<vmem>>
    %dma_start3A_352 = tpu.memref_squeeze %dma_start3A_351 : memref<1x128xi32, #tpu.memory_space<vmem>> -> memref<128xi32, #tpu.memory_space<vmem>>
    %dma_start3A_353 = arith.constant 0 : i32
    %dma_start3A_354 = arith.constant 0 : i32
    %dma_start3A_355 = tpu.memref_slice %arg5[%dma_start3A_353, %dma_start3A_354] : memref<256x128xf32, #tpu.memory_space<hbm>> -> memref<256x128xf32, #tpu.memory_space<hbm>>
    tpu.enqueue_indirect_dma source(%dma_start3A_355 : memref<256x128xf32, #tpu.memory_space<hbm>>) target(%dma_start3A_349 : memref<128x128xf32, #tpu.memory_space<vmem>>) offsets(%dma_start3A_352 : memref<128xi32, #tpu.memory_space<vmem>>) semaphore(%arg11 : memref<!tpu.dma_semaphore, #tpu.memory_space<semaphore_mem>>) {add = true}
    %dma_wait3A_356 = arith.constant 0 : i32
    %dma_wait3A_357 = arith.constant 0 : i32
    %dma_wait3A_358 = arith.constant 0 : i32
    %dma_wait3A_359 = tpu.memref_slice %arg10[%dma_wait3A_357, %dma_wait3A_358] : memref<256x128xf32, #tpu.memory_space<vmem>> -> memref<128x128xf32, #tpu.memory_space<vmem>>
    %dma_wait3A_360 = arith.constant 0 : i32
    %dma_wait3A_361 = tpu.memref_slice %arg8[%dma_wait3A_356, %dma_wait3A_360] : memref<2x128xi32, #tpu.memory_space<vmem>> -> memref<1x128xi32, #tpu.memory_space<vmem>>
    %dma_wait3A_362 = tpu.memref_squeeze %dma_wait3A_361 : memref<1x128xi32, #tpu.memory_space<vmem>> -> memref<128xi32, #tpu.memory_space<vmem>>
    %dma_wait3A_363 = arith.constant 0 : i32
    %dma_wait3A_364 = arith.constant 0 : i32
    %dma_wait3A_365 = tpu.memref_slice %arg2[%dma_wait3A_363, %dma_wait3A_364] : memref<100000x128xf32, #tpu.memory_space<hbm>> -> memref<100000x128xf32, #tpu.memory_space<hbm>>
    tpu.wait_indirect_dma semaphore(%arg11 : memref<!tpu.dma_semaphore, #tpu.memory_space<semaphore_mem>>) src(%dma_wait3A_365 : memref<100000x128xf32, #tpu.memory_space<hbm>>) dst(%dma_wait3A_359 : memref<128x128xf32, #tpu.memory_space<vmem>>)
    %dma_wait3A_366 = arith.constant 0 : i32
    %dma_wait3A_367 = arith.constant 0 : i32
    %dma_wait3A_368 = arith.constant 0 : i32
    %dma_wait3A_369 = tpu.memref_slice %arg10[%dma_wait3A_367, %dma_wait3A_368] : memref<256x128xf32, #tpu.memory_space<vmem>> -> memref<128x128xf32, #tpu.memory_space<vmem>>
    %dma_wait3A_370 = arith.constant 0 : i32
    %dma_wait3A_371 = tpu.memref_slice %arg9[%dma_wait3A_366, %dma_wait3A_370] : memref<2x128xi32, #tpu.memory_space<vmem>> -> memref<1x128xi32, #tpu.memory_space<vmem>>
    %dma_wait3A_372 = tpu.memref_squeeze %dma_wait3A_371 : memref<1x128xi32, #tpu.memory_space<vmem>> -> memref<128xi32, #tpu.memory_space<vmem>>
    %dma_wait3A_373 = arith.constant 0 : i32
    %dma_wait3A_374 = arith.constant 0 : i32
    %dma_wait3A_375 = tpu.memref_slice %arg5[%dma_wait3A_373, %dma_wait3A_374] : memref<256x128xf32, #tpu.memory_space<hbm>> -> memref<256x128xf32, #tpu.memory_space<hbm>>
    tpu.wait_indirect_dma semaphore(%arg11 : memref<!tpu.dma_semaphore, #tpu.memory_space<semaphore_mem>>) src(%dma_wait3A_375 : memref<256x128xf32, #tpu.memory_space<hbm>>) dst(%dma_wait3A_369 : memref<128x128xf32, #tpu.memory_space<vmem>>)
    %dma_wait3A_376 = arith.constant 1 : i32
    %dma_wait3A_377 = arith.constant 128 : i32
    %dma_wait3A_378 = arith.constant 0 : i32
    %dma_wait3A_379 = tpu.memref_slice %arg10[%dma_wait3A_377, %dma_wait3A_378] : memref<256x128xf32, #tpu.memory_space<vmem>> -> memref<128x128xf32, #tpu.memory_space<vmem>>
    %dma_wait3A_380 = arith.constant 0 : i32
    %dma_wait3A_381 = tpu.memref_slice %arg8[%dma_wait3A_376, %dma_wait3A_380] : memref<2x128xi32, #tpu.memory_space<vmem>> -> memref<1x128xi32, #tpu.memory_space<vmem>>
    %dma_wait3A_382 = tpu.memref_squeeze %dma_wait3A_381 : memref<1x128xi32, #tpu.memory_space<vmem>> -> memref<128xi32, #tpu.memory_space<vmem>>
    %dma_wait3A_383 = arith.constant 0 : i32
    %dma_wait3A_384 = arith.constant 0 : i32
    %dma_wait3A_385 = tpu.memref_slice %arg2[%dma_wait3A_383, %dma_wait3A_384] : memref<100000x128xf32, #tpu.memory_space<hbm>> -> memref<100000x128xf32, #tpu.memory_space<hbm>>
    tpu.wait_indirect_dma semaphore(%arg11 : memref<!tpu.dma_semaphore, #tpu.memory_space<semaphore_mem>>) src(%dma_wait3A_385 : memref<100000x128xf32, #tpu.memory_space<hbm>>) dst(%dma_wait3A_379 : memref<128x128xf32, #tpu.memory_space<vmem>>)
    %dma_wait3A_386 = arith.constant 1 : i32
    %dma_wait3A_387 = arith.constant 128 : i32
    %dma_wait3A_388 = arith.constant 0 : i32
    %dma_wait3A_389 = tpu.memref_slice %arg10[%dma_wait3A_387, %dma_wait3A_388] : memref<256x128xf32, #tpu.memory_space<vmem>> -> memref<128x128xf32, #tpu.memory_space<vmem>>
    %dma_wait3A_390 = arith.constant 0 : i32
    %dma_wait3A_391 = tpu.memref_slice %arg9[%dma_wait3A_386, %dma_wait3A_390] : memref<2x128xi32, #tpu.memory_space<vmem>> -> memref<1x128xi32, #tpu.memory_space<vmem>>
    %dma_wait3A_392 = tpu.memref_squeeze %dma_wait3A_391 : memref<1x128xi32, #tpu.memory_space<vmem>> -> memref<128xi32, #tpu.memory_space<vmem>>
    %dma_wait3A_393 = arith.constant 0 : i32
    %dma_wait3A_394 = arith.constant 0 : i32
    %dma_wait3A_395 = tpu.memref_slice %arg5[%dma_wait3A_393, %dma_wait3A_394] : memref<256x128xf32, #tpu.memory_space<hbm>> -> memref<256x128xf32, #tpu.memory_space<hbm>>
    tpu.wait_indirect_dma semaphore(%arg11 : memref<!tpu.dma_semaphore, #tpu.memory_space<semaphore_mem>>) src(%dma_wait3A_395 : memref<256x128xf32, #tpu.memory_space<hbm>>) dst(%dma_wait3A_389 : memref<128x128xf32, #tpu.memory_space<vmem>>)
    "tpu.region"() ({
      %run_scoped3A = tpu.sem_alloc : memref<!tpu.dma_semaphore, #tpu.memory_space<semaphore_mem>>
      %dma_start3A_396 = arith.constant 0 : i32
      %dma_start3A_397 = tpu.memref_slice %arg7[%mul3A_2, %dma_start3A_396] : memref<8192x128xf32, #tpu.memory_space<hbm>> -> memref<256x128xf32, #tpu.memory_space<hbm>>
      %dma_start3A_398 = arith.constant 0 : i32
      %dma_start3A_399 = tpu.memref_slice %arg7[%mul3A_2, %dma_start3A_398] : memref<8192x128xf32, #tpu.memory_space<hbm>> -> memref<256x128xf32, #tpu.memory_space<hbm>>
      tpu.enqueue_dma source(%arg10 : memref<256x128xf32, #tpu.memory_space<vmem>>) target(%dma_start3A_399 : memref<256x128xf32, #tpu.memory_space<hbm>>) target_semaphore(%run_scoped3A : memref<!tpu.dma_semaphore, #tpu.memory_space<semaphore_mem>>)
      %dma_wait3A_400 = arith.constant 0 : i32
      %dma_wait3A_401 = tpu.memref_slice %arg7[%mul3A_2, %dma_wait3A_400] : memref<8192x128xf32, #tpu.memory_space<hbm>> -> memref<256x128xf32, #tpu.memory_space<hbm>>
      %dma_wait3A_402 = arith.constant 0 : i32
      %dma_wait3A_403 = tpu.memref_slice %arg7[%mul3A_2, %dma_wait3A_402] : memref<8192x128xf32, #tpu.memory_space<hbm>> -> memref<256x128xf32, #tpu.memory_space<hbm>>
      tpu.wait_dma2 semaphore(%run_scoped3A : memref<!tpu.dma_semaphore, #tpu.memory_space<semaphore_mem>>) src(%arg10 : memref<256x128xf32, #tpu.memory_space<vmem>>) dst(%dma_wait3A_403 : memref<256x128xf32, #tpu.memory_space<hbm>>)
      tpu.yield
    }) : () -> ()
    return
  }
}

</mosaic_0001>

<sc_bundles>
// kernel: kernel.3.cloned.1.call-start
scs
__scs_entry_jumppad:
0x0: {  	(pc) =	sbr.rel $0x88, $3  }
0x1: {  	(tag) =	ssettag $0x0;
	lr =	simm.s32 $0x1  }
0x2: {  	[smem:$0x3F9C] =	sst lr;
	_ =	strace $0xD0000000  }
0x3: {  	_ = 	snop  }
0x4: {  	_ = 	snop  }
0x5: {  	_ = 	snop  }
0x6: {  	_ = 	snop  }
0x7: {  	_ = 	snop  }
__scs_overlays_trampoline_lowered:
0x8: {  	[smem:$0x3FAB] =	sst s0  }
0x9: {  	[smem:$0x3FAC] =	sst s1  }
0xa: {  	[smem:$0x3FAD] =	sst s2  }
0xb: {  	[smem:$0x3FAE] =	sst s3  }
0xc: {  	[smem:$0x3FAF] =	sst s4  }
0xd: {  	[smem:$0x3FB0] =	sst s5  }
0xe: {  	[smem:$0x3FB1] =	sst s6  }
0xf: {  	[smem:$0x3FB2] =	sst s7  }
0x10: {  	[smem:$0x3FB3] =	sst s8  }
0x11: {  	[smem:$0x3FB4] =	sst s9;
	s0 =	simm.s32 @!p0 $0x0  }
0x12: {  	s1 =	sld [smem:$0x3F9A];
	s0 =	simm.s32 @p0 $0x1  }
0x13: {  	[smem:$0x3FB5] =	sst s0;
	s0 =	simm.s32 @!p1 $0x0  }
0x14: {  	s2 =	sld [smem:$0x3F99];
	s0 =	simm.s32 @p1 $0x1  }
0x15: {  	[smem:$0x3FB6] =	sst s0;
	s0 =	simm.s32 @!p2 $0x0  }
0x16: {  	s3 =	sld [smem:$0x3FDB];
	s0 =	simm.s32 @p2 $0x1  }
0x17: {  	s4 =	simm.s32 $0x1BF5;
	[smem:$0x3FB8] =	sst s0  }
0x18: {  	s0 =	sld [smem:$0x3F9B];
	_ =	swait.ge [sflag:s4], $0x0  }
0x19: {  	s7 =	sld [smem:$0x3F9C]  }
0x1a: {  	s8 =	sadd.s32 $0xFFFFE003, lr  }
0x1b: {  	s9 =	sadd.s32 $0xFFFFFEF7, lr;
	s5 =	simm.s32 $0xFFFFFFFF;
	p2 =	slt.u32 s8, $0xFFFFF086  }
0x1c: {  	p1 =	slt.u32 s9, $0xF7A;
	s5 =	simm.s32 @!p2 $0x0  }
0x1d: {  	s5 =	simm.s32 @p1 $0x1;
	p0 =	seq.s32 s7, s2  }
0x1e: {  	s7 =	smul.u32 @!p0 $0xF7A, s2;
	p2 =	seq.s32 @!p0 s5, $0x0  }
0x1f: {  	s9 =	smul.u32 $0xF7A, s1;
	s8 =	simm.s32 @!p0 $0x1BF5;
	p2 =	por !p2, p0  }
0x20: {  	[sflag:s8] =	ssyncset.s32 @!p0 $0xFFFFF086;
	s6 =	sadd.s32 @!p0 s3, s7;
	s7 =	simm.s32 @!p0 $0x108  }
0x21: {  	s3 =	sadd.s32 s3, s9;
	s6 =	sadd.s32 @!p0 $0x88, s6;
	s7 =	simm.s32 @p2 $0x1082  }
0x22: {  	[simem:s7], [sflag:s8] =	dma.local @!p0 [hbm:s6], $0xF7A  }
0x23: {  	s9 =	sor.u32 $0xD0000000, s2;
	s6 =	simm.s32 $0x108;
	_ =	swait.ge @!p0 [sflag:s8], $0x0  }
0x24: {  	s3 =	sadd.s32 $0x88, s3;
	s6 =	simm.s32 @!p1 $0x1082;
	[sflag:s4] =	ssyncset.s32 $0xFFFFF086  }
0x25: {  	[simem:s6], [sflag:s4] =	dma.local [hbm:s3], $0xF7A  }
0x26: {  	[smem:$0x3F9C] =	sst s1;
	(tag) =	ssettag s2;
	_ =	strace s9  }
0x27: {  	s1 =	sld [smem:$0x3FAC]  }
0x28: {  	s2 =	sld [smem:$0x3FAD]  }
0x29: {  	s4 =	sld [smem:$0x3FAF]  }
0x2a: {  	p0 =	seq.s32 s5, $0x0;
	s5 =	sld [smem:$0x3FB0]  }
0x2b: {  	s6 =	sld [smem:$0x3FB1]  }
0x2c: {  	s7 =	sld [smem:$0x3FB2]  }
0x2d: {  	s3 =	simm.s32 $0x108;
	s8 =	sld [smem:$0x3FB3]  }
0x2e: {  	s3 =	simm.s32 @!p0 $0x1082;
	s9 =	sld [smem:$0x3FB4]  }
0x2f: {  	lr =	sadd.s32 s0, s3;
	s0 =	sld [smem:$0x3FAB]  }
0x30: {  	s3 =	sld [smem:$0x3FAE]  }
0x31: {  	[smem:$0x3FB7] =	sst s10  }
0x32: {  	s10 =	sld [smem:$0x3FB5];
	_ =	sdelay $0x3  }
0x33: {  	p0 =	seq.s32 s10, $0x1;
	s10 =	sld [smem:$0x3FB7];
	_ =	sdelay $0x3  }
0x34: {  	[smem:$0x3FB7] =	sst s10  }
0x35: {  	s10 =	sld [smem:$0x3FB6];
	_ =	sdelay $0x3  }
0x36: {  	p1 =	seq.s32 s10, $0x1;
	s10 =	sld [smem:$0x3FB7];
	_ =	sdelay $0x3  }
0x37: {  	[smem:$0x3FB7] =	sst s10  }
0x38: {  	s10 =	sld [smem:$0x3FB8]  }
0x39: {  	_ = 	snop;
	(pc) =	sbr.ind lr, $3  }
0x3a: {  	_ = 	snop  }
0x3b: {  	_ = 	snop  }
0x3c: {  	p2 =	seq.s32 s10, $0x1;
	s10 =	sld [smem:$0x3FB7]  }
0x3d: {  	_ =	shalt  }
0x3e: {  	_ =	shalt  }
0x3f: {  	_ =	shalt  }
0x40: {  	_ =	shalt  }
0x41: {  	_ =	shalt  }
0x42: {  	_ =	shalt  }
0x43: {  	_ =	shalt  }
0x44: {  	_ =	shalt  }
0x45: {  	_ =	shalt  }
0x46: {  	_ =	shalt  }
0x47: {  	_ =	shalt  }
0x48: {  	_ =	shalt  }
0x49: {  	_ =	shalt  }
0x4a: {  	_ =	shalt  }
0x4b: {  	_ =	shalt  }
0x4c: {  	_ =	shalt  }
0x4d: {  	_ =	shalt  }
0x4e: {  	_ =	shalt  }
0x4f: {  	_ =	shalt  }
0x50: {  	_ =	shalt  }
0x51: {  	_ =	shalt  }
0x52: {  	_ =	shalt  }
0x53: {  	_ =	shalt  }
0x54: {  	_ =	shalt  }
0x55: {  	_ =	shalt  }
0x56: {  	_ =	shalt  }
0x57: {  	_ =	shalt  }
0x58: {  	_ =	shalt  }
0x59: {  	_ =	shalt  }
0x5a: {  	_ =	shalt  }
0x5b: {  	_ =	shalt  }
0x5c: {  	_ =	shalt  }
0x5d: {  	_ =	shalt  }
0x5e: {  	_ =	shalt  }
0x5f: {  	_ =	shalt  }
0x60: {  	_ =	shalt  }
0x61: {  	_ =	shalt  }
0x62: {  	_ =	shalt  }
0x63: {  	_ =	shalt  }
0x64: {  	_ =	shalt  }
0x65: {  	_ =	shalt  }
0x66: {  	_ =	shalt  }
0x67: {  	_ =	shalt  }
0x68: {  	_ =	shalt  }
0x69: {  	_ =	shalt  }
0x6a: {  	_ =	shalt  }
0x6b: {  	_ =	shalt  }
0x6c: {  	_ =	shalt  }
0x6d: {  	_ =	shalt  }
0x6e: {  	_ =	shalt  }
0x6f: {  	_ =	shalt  }
0x70: {  	_ =	shalt  }
0x71: {  	_ =	shalt  }
0x72: {  	_ =	shalt  }
0x73: {  	_ =	shalt  }
0x74: {  	_ =	shalt  }
0x75: {  	_ =	shalt  }
0x76: {  	_ =	shalt  }
0x77: {  	_ =	shalt  }
0x78: {  	_ =	shalt  }
0x79: {  	_ =	shalt  }
0x7a: {  	_ =	shalt  }
0x7b: {  	_ =	shalt  }
0x7c: {  	_ =	shalt  }
0x7d: {  	_ =	shalt  }
0x7e: {  	_ =	shalt  }
0x7f: {  	_ =	shalt  }
0x80: {  	_ =	shalt  }
0x81: {  	_ =	shalt  }
0x82: {  	_ =	shalt  }
0x83: {  	_ =	shalt  }
0x84: {  	_ =	shalt  }
0x85: {  	_ =	shalt  }
0x86: {  	_ =	shalt  }
0x87: {  	_ =	shalt  }
.Lfunc_end0:
.L_simem_size_0:
called_computation_lowered:
.L_overlay_start_0:
0x88: {  	s2 =	sld [smem:$0x3FD9]  }
0x89: {  	s3 =	sld [smem:$0x3FFE];
	_ =	sdelay $0x1  }
0x8a: {  	s1 =	srdreg.scid  }
0x8b: {  	s0 =	sand.u32 $0x1, s1  }
0x8c: {  	s17 =	sshll.u32 s0, $0xA;
	s2 =	sadd.s32 s3, s2  }
0x8d: {  	s2 =	sadd.s32 s2, s17  }
0x8e: {  	[smem:$0x3FC3] =	sst s2  }
0x8f: {  	_ = 	snop  }
0x90: {  	s2 =	sld [smem:$0x3FC7]  }
0x91: {  	s18 =	sld [smem:$0x3FC5]  }
0x92: {  	s4 =	sld [smem:$0x3FD0];
	(tm) =	ssettm $0x1  }
0x93: {  	s5 =	sld [smem:$0x3FFB];
	_ =	sdelay $0x3  }
0x94: {  	_ =	strace s5  }
0x95: {  	s5 =	sld [smem:$0x3FFC];
	_ =	sdelay $0x3  }
0x96: {  	_ =	strace s5  }
0x97: {  	s5 =	sld [smem:$0x3FFD];
	_ =	sdelay $0x3  }
0x98: {  	_ =	strace s5  }
0x99: {  	_ =	strace $0x8FFFFFFF  }
0x9a: {  	s19 =	sld [smem:$0x3FDB];
	_ =	sdelay $0x1  }
0x9b: {  	s6 =	simm.s32 $_scs_section_size  }
0x9c: {  	s7 =	simm.s32 $_size__tile_overlayer_lowered;
	s8 =	simm.s32 $_tile_overlayer_lowered  }
0x9d: {  	s22 =	simm.s32 $0x1BFF;
	s21 =	sshll.u32 s8, $0x1;
	s5 =	sadd.s32 s6, s19  }
0x9e: {  	s9 =	simm.s32 $0x0;
	s20 =	sshll.u32 s7, $0x1;
	s7 =	sadd.s32 s21, s5  }
0x9f: {  	[timem:s9], [sflag:s22] =	dma.local [hbm:s7], s20  }
0xa0: {  	_ =	swait.ge [sflag:s22], s20  }
0xa1: {  	s6 =	ssub.s32 $0x0, s20;
	[sflag:s22] =	ssyncset.done $0x0  }
0xa2: {  	[sflag:s22] =	ssyncadd.s32 s6;
	_ =	sdelay $0x1  }
0xa3: {  	s23 =	simm.s32 $0x1B8B  }
0xa4: {  	_ =	swait.ge [sflag:s23], $0x1  }
0xa5: {  	[sflag:s23] =	ssyncset.done $0x0  }
0xa6: {  	s25 =	simm.s32 $0x1B8E;
	s24 =	sld [smem:$0x3FFE];
	[sflag:s23] =	ssyncadd.s32 $0xFFFFFFFF  }
0xa7: {  	s26 =	simm.s32 $execute0_lowered;
	[smem:$0x3FD2] =	sst s25  }
0xa8: {  	s7 =	sshll.u32 s26, $0x1;
	_ =	strace $0x80000046;
	[dreg:$0x1] =	wrdreg $0xFFFFFFFF  }
0xa9: {  	s28 =	simm.s32 $_size_execute0_lowered;
	s5 =	sadd.s32 s5, s7;
	[dreg:$0x0] =	wrdreg $0x0  }
0xaa: {  	s7 =	sshll.u32 s28, $0x1;
	[dreg:$0x2] =	wrdreg s5  }
0xab: {  	[dreg:$0x3] =	wrdreg s7  }
0xac: {  	[dreg:$0x4] =	wrdreg $0xC0  }
0xad: {  	_ =	task [dreg:s9], $0x5FFFF  }
0xae: {  	[dreg:$0x1] =	wrdreg $0xFFFFFFFF  }
0xaf: {  	[dreg:$0x0] =	wrdreg $0x60  }
0xb0: {  	[dreg:$0x2] =	wrdreg s2  }
0xb1: {  	[dreg:$0x3] =	wrdreg s24  }
0xb2: {  	[dreg:$0x4] =	wrdreg s18  }
0xb3: {  	[dreg:$0x5] =	wrdreg s4  }
0xb4: {  	[dreg:$0x6] =	wrdreg $0x9  }
0xb5: {  	_ =	task.clear_ibuf [dreg:s9], $0x7FFFF;
	_ =	strace $0x90000046  }
0xb6: {  	s29 =	simm.s32 $0x9;
	_ =	strace $0x80000048  }
0xb7: {  	_ =	swait.ge [sflag:s29], $0x1  }
0xb8: {  	[sflag:s29] =	ssyncadd.s32 $0xFFFFFFFF  }
0xb9: {  	_ =	strace $0x90000048  }
0xba: {  	_ =	sfence  }
0xbb: {  	s30 =	sld [smem:$0x0];
	_ =	sdelay $0x2  }
0xbc: {  	s31 =	sshll.u32 s1, $0xD;
	s1 =	sshrl.u32 s1, $0x2  }
0xbd: {  	s3 =	sand.u32 $0x4000, s31;
	s1 =	sadd.s32 s1, s30  }
0xbe: {  	s0 =	sor.u32 s3, s0;
	s1 =	sshll.u32 s1, $0x11  }
0xbf: {  	s0 =	sor.u32 s1, s0  }
0xc0: {  	s0 =	sadd.s32 $0x8F2B, s0  }
0xc1: {  	[sflag:s0] =	ssyncadd.remote.s32 $0x1  }
0xc2: {  	_ =	sfence.sel $0xFFFF  }
0xc3: {  	[dreg:$0x0] =	wrdreg $0xFFFFFFFF;
	(pc) =	sbr.abs _section_cstart, $3  }
0xc4: {  	[dreg:$0x1] =	wrdreg $0xFFFFFFFF  }
0xc5: {  	_ =	task.clear_ibuf [dreg:s9], $0x2FFFF;
	_ =	strace $0x9FFFFFFF  }
0xc6: {  	(tm) =	ssettm $0x7FFFFFFF  }
0xc7: {  	_ =	shalt  }
tec
execute0_lowered:
.L_overlay_start_1:
0x0: {  	(tag) =	ssettag $0x1  }
0x1: {  	s3 =	rddreg [dreg:$0x0]  }
0x2: {  	s11 =	rddreg [dreg:$0x1]  }
0x3: {  	s1 =	srdreg.scid;
	s0 =	stileid.u32  }
0x4: {  	s4 =	rddreg [dreg:$0x2];
	s12 =	sand.u32 $0x1, s1;
	s30 =	sshll.u32 s0, $0x1  }
0x5: {  	s10 =	rddreg [dreg:$0x3];
	s5 =	sor.u32 s12, s30  }
0x6: {  	s2 =	simm.s32 $0x0;
	s1 =	rddreg [dreg:$0x4];
	s6 =	sshll.u32 s5, $0x5  }
0x7: {  	[smem:$0x7FF] =	sst s2;
	s7 =	sadd.s32 s6, s11  }
0x8: {  	_ =	strace $0x80000047;
	s16 =	sshll.u32 s5, $0xC;
	s6 =	sadd.s32 $0x400, s7  }
0x9: {  	[tilespmem:s2], [sflag:$0x1] =	stream.linear.gather [hbm4b:s6+s2], $0x100, $0x38;
	[tilespmem:$0x8200] =	vst v63  }
0xa: {  	s8 =	simm.s32 $0x100;
	s5 =	sand.u32 $0x7000, s16;
	s7 =	sadd.s32 $0x800, s7  }
0xb: {  	[tilespmem:s8], [sflag:$0x1] =	stream.linear.gather [hbm4b:s7+s2], $0x100, $0x38;
	[tilespmem:$0x8200] =	vst v63  }
0xc: {  	s9 =	sadd.s32 s4, s5;
	s4 =	simm.s32 $0x200;
	s5 =	simm.s32 $0x1  }
0xd: {  	[tilespmem:s4], [sflag:$0x1] =	stream.linear.gather [hbm4b:s9+s2], $0x8000, $0x38;
	[tilespmem:$0x8200] =	vst v63  }
0xe: {  	_ =	swait.ge [sflag:s5], $0x100  }
0xf: {  	[sflag:s5] =	ssyncset.done $0x0  }
0x10: {  	[sflag:s5] =	ssyncadd.s32 $0xFFFFFF00  }
0x11: {  	_ =	swait.ge [sflag:s5], $0x100  }
0x12: {  	[sflag:s5] =	ssyncset.done $0x0  }
0x13: {  	[sflag:s5] =	ssyncadd.s32 $0xFFFFFF00  }
0x14: {  	_ =	swait.ge [sflag:s5], $0x8000  }
0x15: {  	[sflag:s5] =	ssyncset.done $0x0  }
0x16: {  	[sflag:s5] =	ssyncadd.s32 $0xFFFF8000  }
0x17: {  	v3 =	vld [tilespmem:$0x1F0]  }
0x18: {  	v4 =	vld [tilespmem:$0x1B0]  }
0x19: {  	v0 =	vlaneseq.u32;
	v5 =	vld [tilespmem:$0x1D0]  }
0x1a: {  	v0 =	vmul.u32 $0x2, v0;
	v7 =	vld [tilespmem:$0x130]  }
0x1b: {  	v61 =	vld [tilespmem:$0x100]  }
0x1c: {  	v1 =	vor.u32 $0xE0, v0;
	v6 =	vld [tilespmem:$0x1C0]  }
0x1d: {  	v2 =	vor.u32 $0x60, v0;
	v8 =	vld [tilespmem:$0x1A0];
	v9 =	vadd.s32 v1, v3  }
0x1e: {  	v57 =	vld [tilespmem:$0x180];
	v11 =	vadd.s32 v2, v4;
	[tilespmem:$0x1F0] =	vst v9  }
0x1f: {  	v58 =	vld [tilespmem:$0x170];
	v7 =	vadd.s32 v2, v7;
	[tilespmem:$0x1B0] =	vst v11  }
0x20: {  	v13 =	vld [tilespmem:$0x150];
	v3 =	vor.u32 $0xA0, v0;
	v63 =	vadd.s32 v0, v61;
	[tilespmem:$0x130] =	vst v7  }
0x21: {  	v4 =	vor.u32 $0x80, v0;
	v5 =	vadd.s32 v3, v5;
	[tilespmem:$0x100] =	vst v63  }
0x22: {  	v10 =	vld [tilespmem:$0x190];
	v6 =	vadd.s32 v4, v6;
	[tilespmem:$0x1D0] =	vst v5  }
0x23: {  	v14 =	vld [tilespmem:$0x120];
	v9 =	vadd.s32 v0, v57;
	[tilespmem:$0x1C0] =	vst v6  }
0x24: {  	v12 =	vld [tilespmem:$0x160];
	v11 =	vadd.s32 v1, v58;
	v5 =	vor.u32 $0x40, v0;
	[tilespmem:$0x180] =	vst v9  }
0x25: {  	v13 =	vadd.s32 v3, v13;
	[tilespmem:$0x170] =	vst v11;
	v7 =	vadd.s32 v5, v8;
	v8 =	vld [tilespmem:$0x140]  }
0x26: {  	v59 =	vld [tilespmem:$0x1E0];
	v6 =	vor.u32 $0x20, v0;
	[tilespmem:$0x150] =	vst v13  }
0x27: {  	v60 =	vld [tilespmem:$0x110];
	v10 =	vadd.s32 v6, v10;
	[tilespmem:$0x1A0] =	vst v7  }
0x28: {  	v62 =	vadd.s32 v5, v14;
	[tilespmem:$0x190] =	vst v10;
	v7 =	vor.u32 $0xC0, v0  }
0x29: {  	[tilespmem:$0x120] =	vst v62;
	v12 =	vadd.s32 v7, v12  }
0x2a: {  	s14 =	ssub.s32 $0x2, s12;
	[tilespmem:$0x160] =	vst v12;
	v8 =	vadd.s32 v4, v8  }
0x2b: {  	s31 =	sshrl.u32 s14, $0x1;
	[tilespmem:$0x140] =	vst v8;
	v8 =	vadd.s32 v7, v59  }
0x2c: {  	s13 =	sadd.s32 $0xC00, s11;
	s11 =	ssub.s32 s14, s31;
	[tilespmem:$0x1E0] =	vst v8;
	v8 =	vadd.s32 v6, v60  }
0x2d: {  	s12 =	simm.s32 $0x80;
	s17 =	smax.u32 s11, $0x1;
	[tilespmem:$0x110] =	vst v8  }
0x2e: {  	[tilespmem:s4], [sflag:$0x1] =	stream.indirect.gather.add.f32 [hbm:s3], $0x80, s2, s12, $0xb8;
	[tilespmem:$0x8200] =	vst v63  }
0x2f: {  	p0 =	sne.s32 s17, $0x1  }
0x30: {  	[tilespmem:s4], [sflag:$0x1] =	stream.indirect.gather.add.f32 [hbm:s13], $0x80, s8, s12, $0xb8;
	[tilespmem:$0x8200] =	vst v63  }
.Ltmp0:
0x31: {  	_ = 	snop;
	(pc) =	sbr.rel @!p0 .LBB2_2-.Ltmp0, $4  }
0x32: {  	s15 =	simm.s32 $0x180;
	s14 =	simm.s32 $0x4200  }
0x33: {  	[tilespmem:s14], [sflag:$0x1] =	stream.indirect.gather.add.f32 [hbm:s3], $0x80, s12, s12, $0xb8;
	[tilespmem:$0x8200] =	vst v63  }
0x34: {  	s11 =	sadd.s32 s10, s16;
	s10 =	simm.s32 $0x2;
	s16 =	sadd.s32 $0xFFFFFFFF, s17  }
0x35: {  	[tilespmem:s14], [sflag:$0x1] =	stream.indirect.gather.add.f32 [hbm:s13], $0x80, s15, s12, $0xb8;
	[tilespmem:$0x8200] =	vst v63  }
.LBB2_1:
0x36: {  	p0 =	sne.s32 s16, $0x1;
	s16 =	sadd.s32 $0xFFFFFFFF, s16;
	_ =	swait.ge [sflag:s5], $0x4000  }
0x37: {  	[sflag:s5] =	ssyncset.done $0x0  }
0x38: {  	[sflag:s5] =	ssyncadd.s32 $0xFFFFC000  }
0x39: {  	_ =	swait.ge [sflag:s5], $0x4000  }
0x3a: {  	[sflag:s5] =	ssyncset.done $0x0  }
0x3b: {  	[sflag:s5] =	ssyncadd.s32 $0xFFFFC000  }
0x3c: {  	_ =	swait.ge [sflag:s5], $0x4000  }
0x3d: {  	[sflag:s5] =	ssyncset.done $0x0  }
0x3e: {  	[sflag:s5] =	ssyncadd.s32 $0xFFFFC000  }
0x3f: {  	_ =	swait.ge [sflag:s5], $0x4000  }
0x40: {  	[sflag:s5] =	ssyncset.done $0x0  }
0x41: {  	[sflag:s5] =	ssyncadd.s32 $0xFFFFC000  }
0x42: {  	[hbm4b:s11+s2] =	stream.linear.scatter [tilespmem:s4], [sflag:$0x2], $0x8000, $0x38;
	[tilespmem:$0x8200] =	vst v63  }
0x43: {  	_ =	swait.ge [sflag:s10], $0x8000  }
0x44: {  	[sflag:s10] =	ssyncset.done $0x0  }
0x45: {  	[sflag:s10] =	ssyncadd.s32 $0xFFFF8000  }
0x46: {  	[tilespmem:s2], [sflag:$0x1] =	stream.linear.gather [hbm4b:s6+s2], $0x100, $0x38;
	[tilespmem:$0x8200] =	vst v63  }
0x47: {  	_ = 	snop  }
0x48: {  	[tilespmem:s8], [sflag:$0x1] =	stream.linear.gather [hbm4b:s7+s2], $0x100, $0x38;
	[tilespmem:$0x8200] =	vst v63  }
0x49: {  	_ = 	snop  }
0x4a: {  	[tilespmem:s4], [sflag:$0x1] =	stream.linear.gather [hbm4b:s9+s2], $0x8000, $0x38;
	[tilespmem:$0x8200] =	vst v63  }
0x4b: {  	_ =	swait.ge [sflag:s5], $0x100  }
0x4c: {  	[sflag:s5] =	ssyncset.done $0x0  }
0x4d: {  	[sflag:s5] =	ssyncadd.s32 $0xFFFFFF00  }
0x4e: {  	_ =	swait.ge [sflag:s5], $0x100  }
0x4f: {  	[sflag:s5] =	ssyncset.done $0x0  }
0x50: {  	[sflag:s5] =	ssyncadd.s32 $0xFFFFFF00  }
0x51: {  	_ =	swait.ge [sflag:s5], $0x8000  }
0x52: {  	[sflag:s5] =	ssyncset.done $0x0  }
0x53: {  	[sflag:s5] =	ssyncadd.s32 $0xFFFF8000  }
0x54: {  	v8 =	vld [tilespmem:$0x1F0]  }
0x55: {  	v9 =	vld [tilespmem:$0x1B0]  }
0x56: {  	v10 =	vld [tilespmem:$0x1D0]  }
0x57: {  	v11 =	vld [tilespmem:$0x1C0]  }
0x58: {  	v12 =	vld [tilespmem:$0x130]  }
0x59: {  	v13 =	vld [tilespmem:$0x1A0];
	v8 =	vadd.s32 v1, v8  }
0x5a: {  	v14 =	vld [tilespmem:$0x190];
	v9 =	vadd.s32 v2, v9;
	[tilespmem:$0x1F0] =	vst v8  }
0x5b: {  	v8 =	vld [tilespmem:$0x180];
	[tilespmem:$0x1B0] =	vst v9;
	v9 =	vadd.s32 v3, v10  }
0x5c: {  	v10 =	vld [tilespmem:$0x170];
	v11 =	vadd.s32 v4, v11;
	[tilespmem:$0x1D0] =	vst v9  }
0x5d: {  	v9 =	vadd.s32 v2, v12;
	v12 =	vld [tilespmem:$0x160];
	[tilespmem:$0x1C0] =	vst v11  }
0x5e: {  	[tilespmem:$0x130] =	vst v9;
	v9 =	vld [tilespmem:$0x150];
	v11 =	vadd.s32 v5, v13  }
0x5f: {  	v13 =	vld [tilespmem:$0x140];
	v14 =	vadd.s32 v6, v14;
	[tilespmem:$0x1A0] =	vst v11  }
0x60: {  	v8 =	vadd.s32 v0, v8;
	[tilespmem:$0x190] =	vst v14;
	v11 =	vld [tilespmem:$0x1E0]  }
0x61: {  	v14 =	vld [tilespmem:$0x120];
	v10 =	vadd.s32 v1, v10;
	[tilespmem:$0x180] =	vst v8  }
0x62: {  	v8 =	vld [tilespmem:$0x110];
	v12 =	vadd.s32 v7, v12;
	[tilespmem:$0x170] =	vst v10  }
0x63: {  	v10 =	vld [tilespmem:$0x100];
	v9 =	vadd.s32 v3, v9;
	[tilespmem:$0x160] =	vst v12  }
0x64: {  	v12 =	vadd.s32 v4, v13;
	[tilespmem:$0x150] =	vst v9  }
0x65: {  	[tilespmem:$0x140] =	vst v12;
	v9 =	vadd.s32 v7, v11  }
0x66: {  	v11 =	vadd.s32 v5, v14;
	[tilespmem:$0x1E0] =	vst v9  }
0x67: {  	v8 =	vadd.s32 v6, v8;
	[tilespmem:$0x120] =	vst v11  }
0x68: {  	v9 =	vadd.s32 v0, v10;
	[tilespmem:$0x110] =	vst v8  }
0x69: {  	[tilespmem:$0x100] =	vst v9  }
0x6a: {  	[tilespmem:s4], [sflag:$0x1] =	stream.indirect.gather.add.f32 [hbm:s3], $0x80, s2, s12, $0xb8;
	[tilespmem:$0x8200] =	vst v63  }
0x6b: {  	_ = 	snop  }
0x6c: {  	[tilespmem:s4], [sflag:$0x1] =	stream.indirect.gather.add.f32 [hbm:s13], $0x80, s8, s12, $0xb8;
	[tilespmem:$0x8200] =	vst v63  }
.Ltmp1:
0x6d: {  	_ = 	snop;
	(pc) =	sbr.rel @p0 .LBB2_1-.Ltmp1, $4  }
0x6e: {  	_ = 	snop  }
0x6f: {  	[tilespmem:s14], [sflag:$0x1] =	stream.indirect.gather.add.f32 [hbm:s3], $0x80, s12, s12, $0xb8;
	[tilespmem:$0x8200] =	vst v63  }
0x70: {  	_ = 	snop  }
0x71: {  	[tilespmem:s14], [sflag:$0x1] =	stream.indirect.gather.add.f32 [hbm:s13], $0x80, s15, s12, $0xb8;
	[tilespmem:$0x8200] =	vst v63  }
.LBB2_2:
0x72: {  	_ =	swait.ge [sflag:s5], $0x4000  }
0x73: {  	[sflag:s5] =	ssyncset.done $0x0  }
0x74: {  	[sflag:s5] =	ssyncadd.s32 $0xFFFFC000  }
0x75: {  	_ =	swait.ge [sflag:s5], $0x4000  }
0x76: {  	[sflag:s5] =	ssyncset.done $0x0  }
0x77: {  	[sflag:s5] =	ssyncadd.s32 $0xFFFFC000  }
0x78: {  	_ =	swait.ge [sflag:s5], $0x4000  }
0x79: {  	[sflag:s5] =	ssyncset.done $0x0  }
0x7a: {  	[sflag:s5] =	ssyncadd.s32 $0xFFFFC000  }
0x7b: {  	_ =	swait.ge [sflag:s5], $0x4000  }
0x7c: {  	[sflag:s5] =	ssyncset.done $0x0  }
0x7d: {  	[sflag:s5] =	ssyncadd.s32 $0xFFFFC000  }
0x7e: {  	[hbm4b:s11+s2] =	stream.linear.scatter [tilespmem:s4], [sflag:$0x2], $0x8000, $0x38;
	[tilespmem:$0x8200] =	vst v63  }
0x7f: {  	_ =	swait.ge [sflag:s10], $0x8000  }
0x80: {  	[sflag:s10] =	ssyncset.done $0x0  }
0x81: {  	[sflag:s10] =	ssyncadd.s32 $0xFFFF8000  }
0x82: {  	_ =	sfence.sel $0x180000  }
0x83: {  	[bflag:$0x0] =	sbarrier.arrive $0xFFFF  }
0x84: {  	p0 =	sne.s32 s0, $0x0;
	_ =	strace $0x90000047  }
0x85: {  	s0 =	sadd.s32 @!p0 $0x100000, s1;
	[bflag:$0x2] =	sbarrier.arrive $0xFFFF  }
0x86: {  	[sflag:s0] =	ssyncadd.tile.s32 @!p0 $0x1;
	_ =	shalt  }
.Lfunc_end2:
_tile_overlayer_lowered:
.L_overlay_start_2:
0x87: {  	(tag) =	ssettag $0x2  }
0x88: {  	s0 =	rddreg [dreg:$0x0];
	s2 =	stileid.u32  }
0x89: {  	s1 =	rddreg [dreg:$0x1];
	p0 =	sne.s32 s2, $0x0  }
0x8a: {  	s3 =	rddreg [dreg:$0x2];
	[bflag:$0x3] =	sbarrier.arrive $0xFFFF;
	s2 =	simm.s32 @!p0 $0x1C02  }
0x8b: {  	[timem:s3], [sflag:s2] =	dma.local @!p0 [hbm:s0], s1  }
0x8c: {  	s0 =	simm.s32 @!p0 $0x2  }
0x8d: {  	_ =	swait.ge @!p0 [sflag:s0], s1  }
0x8e: {  	s1 =	ssub.s32 @!p0 $0x0, s1;
	[sflag:s0] =	ssyncset.done @!p0 $0x0  }
0x8f: {  	[sflag:s0] =	ssyncadd.s32 @!p0 s1  }
0x90: {  	[bflag:$0x3] =	sbarrier.arrive $0xFFFF  }
0x91: {  	_ =	shalt  }

</sc_bundles>
